<compile_context>
chip_gen: v7x
topology: tpu7x:2x2x1
jax: 0.10.2.dev20260603
libtpu: 0.0.44.dev20260713+nightly
codegen_flags: <defaults>
</compile_context>

<pallas_src>
import jax
import jax.numpy as jnp
from jax.experimental import pallas as pl
from jax.experimental.pallas import tpu as pltpu

E = 3_200_000
D = 16
H = 32
K = 8
G = 8
BLK = 5_120
M = BLK // G


def _gater_kernel(x_ref, w1_ref, b1_ref, w2_ref, b2_ref, wp_ref,
                  gsum_ref, sel_ref, alpha_ref, fused_ref,
                  alpha_s, fc_s):
    x = x_ref[...].reshape(M, G * D)
    h = jnp.dot(x, w1_ref[...], preferred_element_type=jnp.float32)
    h = jnp.maximum(h + b1_ref[...], 0.0)
    logits = jnp.dot(h, w2_ref[...], preferred_element_type=jnp.float32)
    logits = logits + b2_ref[...]
    m = jnp.max(logits, axis=-1, keepdims=True)
    ex = jnp.exp(logits - m)
    denom = jnp.dot(ex, gsum_ref[...],
                    preferred_element_type=jnp.float32)
    alpha = ex / denom
    scores = jnp.dot(x, wp_ref[...],
                     preferred_element_type=jnp.float32)
    fused_cols = jnp.dot(alpha * scores, sel_ref[...],
                         preferred_element_type=jnp.float32)
    alpha_s[...] = alpha
    fc_s[...] = fused_cols
    alpha_ref[...] = jnp.concatenate(
        [alpha_s[pl.Slice(0, M // 2, 2), :],
         alpha_s[pl.Slice(1, M // 2, 2), :]], axis=1)
    fused_ref[...] = jnp.concatenate(
        [fc_s[pl.Slice(i, M // 16, 16), :] for i in range(16)], axis=1)


@jax.jit
def kernel(edge_features, W1, b1, W2, b2, Wp):
    f32 = jnp.float32
    x1d = edge_features.reshape(E * D)

    eye = jnp.eye(G, dtype=f32)
    w1b = jnp.kron(eye, W1)
    w2b = jnp.kron(eye, W2)
    wpb = jnp.kron(eye, Wp)
    b1b = jnp.tile(b1, G).reshape(1, G * H)
    b2b = jnp.tile(b2, G).reshape(1, G * K)
    gsum = jnp.kron(eye, jnp.ones((K, K), dtype=f32))
    sel = jnp.kron(eye, jnp.ones((K, 1), dtype=f32))

    def const(shape):
        return pl.BlockSpec(shape, lambda i: (0,) * len(shape))

    alpha1d, fused = pl.pallas_call(
        _gater_kernel,
        grid=(E // BLK,),
        in_specs=[
            pl.BlockSpec((BLK * D,), lambda i: (i,)),
            const((G * D, G * H)), const((1, G * H)),
            const((G * H, G * K)), const((1, G * K)),
            const((G * D, G * K)),
            const((G * K, G * K)), const((G * K, K)),
        ],
        out_specs=[
            pl.BlockSpec((BLK * K // 128, 128), lambda i: (i, 0)),
            pl.BlockSpec((BLK // 128, 128), lambda i: (i, 0)),
        ],
        out_shape=[
            jax.ShapeDtypeStruct((E * K // 128, 128), f32),
            jax.ShapeDtypeStruct((E // 128, 128), f32),
        ],
        scratch_shapes=[
            pltpu.VMEM((M, G * K), f32),
            pltpu.VMEM((M, K), f32),
        ],
        compiler_params=pltpu.CompilerParams(
            dimension_semantics=("arbitrary",)),
    )(x1d, w1b, b1b, w2b, b2b, wpb, gsum, sel)

    return fused.reshape(E), alpha1d.reshape(E, K)

# --- scband reference (transcript-rebuilt; emitter-appended) ---
"""Pipeline reference for scband-edge-mo-egater-88742614270593 (READ-ONLY COPY).

The authoritative reference and input builder live on the scoring server;
editing this copy changes nothing except your own understanding.
"""

import jax, jax.numpy as jnp
import numpy as np

E = 3200000
D = 16
H = 32  # hidden_dim = max(32, 16 // 2)
K = 8   # n_experts
TEMP = 1.0


def setup_inputs(seed: int = 0) -> dict:
    key = jax.random.key(seed)
    ks = jax.random.split(key, 6)
    edge_features = jax.random.normal(ks[0], (E, D), dtype=jnp.float32)
    # edge_mlp: Linear(D, H) -> ReLU -> Linear(H, K)
    W1 = jax.random.normal(ks[1], (D, H), dtype=jnp.float32) * (1.0 / np.sqrt(D))
    b1 = jnp.zeros((H,), dtype=jnp.float32)
    W2 = jax.random.normal(ks[2], (H, K), dtype=jnp.float32) * (1.0 / np.sqrt(H))
    b2 = jnp.zeros((K,), dtype=jnp.float32)
    # expert_projection: Linear(D, K, bias=False)
    Wp = jax.random.normal(ks[3], (D, K), dtype=jnp.float32) * (1.0 / np.sqrt(D))
    return {"edge_features": edge_features, "W1": W1, "b1": b1, "W2": W2, "b2": b2, "Wp": Wp}


def reference(edge_features, W1, b1, W2, b2, Wp):
    # edge_mlp
    h = jax.nn.relu(edge_features @ W1 + b1)
    logits = (h @ W2 + b2) / TEMP
    # gating == 'soft'
    alpha = jax.nn.softmax(logits, axis=-1)
    # expert projection
    expert_scores = edge_features @ Wp
    fused_edge = jnp.sum(alpha * expert_scores, axis=-1)
    return fused_edge, alpha

if __name__ == "__main__":
    import jax
    _d = setup_inputs()
    print(jax.jit(kernel)(*tuple(_d.values())))

</pallas_src>

<mosaic_0001>
module attributes {stable_mosaic.version = 14 : i64} {
  func.func @_gater_kernel(%arg0: i32, %arg1: memref<81920xf32, #tpu.memory_space<vmem>>, %arg2: memref<128x256xf32, #tpu.memory_space<vmem>>, %arg3: memref<1x256xf32, #tpu.memory_space<vmem>>, %arg4: memref<256x64xf32, #tpu.memory_space<vmem>>, %arg5: memref<1x64xf32, #tpu.memory_space<vmem>>, %arg6: memref<128x64xf32, #tpu.memory_space<vmem>>, %arg7: memref<64x64xf32, #tpu.memory_space<vmem>>, %arg8: memref<64x8xf32, #tpu.memory_space<vmem>>, %arg9: memref<320x128xf32, #tpu.memory_space<vmem>>, %arg10: memref<40x128xf32, #tpu.memory_space<vmem>>, %arg11: memref<640x64xf32, #tpu.memory_space<vmem>>, %arg12: memref<640x8xf32, #tpu.memory_space<vmem>>) attributes {dimension_semantics = [#tpu.dimension_semantics<arbitrary>], iteration_bounds = array<i64: 625>, scalar_prefetch = 0 : i64, scratch_operands = 2 : i64, tpu.core_type = #tpu.core_type<tc>, window_params = [{transform_indices = @transform_0, window_bounds = array<i64: 81920>}, {pipeline_mode = #tpu.pipeline_mode<synchronous>, transform_indices = @transform_1, window_bounds = array<i64: 128, 256>}, {pipeline_mode = #tpu.pipeline_mode<synchronous>, transform_indices = @transform_2, window_bounds = array<i64: 1, 256>}, {pipeline_mode = #tpu.pipeline_mode<synchronous>, transform_indices = @transform_3, window_bounds = array<i64: 256, 64>}, {pipeline_mode = #tpu.pipeline_mode<synchronous>, transform_indices = @transform_4, window_bounds = array<i64: 1, 64>}, {pipeline_mode = #tpu.pipeline_mode<synchronous>, transform_indices = @transform_5, window_bounds = array<i64: 128, 64>}, {pipeline_mode = #tpu.pipeline_mode<synchronous>, transform_indices = @transform_6, window_bounds = array<i64: 64, 64>}, {pipeline_mode = #tpu.pipeline_mode<synchronous>, transform_indices = @transform_7, window_bounds = array<i64: 64, 8>}, {transform_indices = @transform_8, window_bounds = array<i64: 320, 128>}, {transform_indices = @transform_9, window_bounds = array<i64: 40, 128>}]} {
    %get3A = arith.constant 0 : index
    %get3A_0 = vector.load %arg1[%get3A] : memref<81920xf32, #tpu.memory_space<vmem>>, vector<81920xf32>
    %reshape3A = vector.shape_cast %get3A_0 : vector<81920xf32> to vector<640x128xf32>
    %get3A_1 = arith.constant 0 : index
    %get3A_2 = arith.constant 0 : index
    %get3A_3 = vector.load %arg2[%get3A_1, %get3A_2] : memref<128x256xf32, #tpu.memory_space<vmem>>, vector<128x256xf32>
    %dot_general3A = arith.constant dense<0.000000e+00> : vector<640x256xf32>
    %dot_general3A_4 = tpu.matmul %reshape3A, %get3A_3, %dot_general3A {dimension_numbers = #tpu.dot_dimension_numbers<[1], [0], [0], [1], [0, 0, 1, 1], [], []>, transpose_lhs_hint = false} : vector<640x128xf32>, vector<128x256xf32>, vector<640x256xf32> -> vector<640x256xf32>
    %get3A_5 = arith.constant 0 : index
    %get3A_6 = arith.constant 0 : index
    %get3A_7 = vector.load %arg3[%get3A_5, %get3A_6] : memref<1x256xf32, #tpu.memory_space<vmem>>, vector<1x256xf32>
    %add3A = vector.broadcast %get3A_7 : vector<1x256xf32> to vector<640x256xf32>
    %add3A_8 = arith.addf %dot_general3A_4, %add3A : vector<640x256xf32>
    %max3A = arith.constant 0.000000e+00 : f32
    %max3A_9 = vector.broadcast %max3A : f32 to vector<640x256xf32>
    %max3A_10 = arith.maximumf %add3A_8, %max3A_9 : vector<640x256xf32>
    %get3A_11 = arith.constant 0 : index
    %get3A_12 = arith.constant 0 : index
    %get3A_13 = vector.load %arg4[%get3A_11, %get3A_12] : memref<256x64xf32, #tpu.memory_space<vmem>>, vector<256x64xf32>
    %dot_general3A_14 = arith.constant dense<0.000000e+00> : vector<640x64xf32>
    %dot_general3A_15 = tpu.matmul %max3A_10, %get3A_13, %dot_general3A_14 {dimension_numbers = #tpu.dot_dimension_numbers<[1], [0], [0], [1], [0, 0, 1, 1], [], []>, transpose_lhs_hint = false} : vector<640x256xf32>, vector<256x64xf32>, vector<640x64xf32> -> vector<640x64xf32>
    %get3A_16 = arith.constant 0 : index
    %get3A_17 = arith.constant 0 : index
    %get3A_18 = vector.load %arg5[%get3A_16, %get3A_17] : memref<1x64xf32, #tpu.memory_space<vmem>>, vector<1x64xf32>
    %add3A_19 = vector.broadcast %get3A_18 : vector<1x64xf32> to vector<640x64xf32>
    %add3A_20 = arith.addf %dot_general3A_15, %add3A_19 : vector<640x64xf32>
    %reduce_max3A = arith.constant dense<0xFF800000> : vector<640xf32>
    %reduce_max3A_21 = vector.multi_reduction <maximumf>, %add3A_20, %reduce_max3A [1] : vector<640x64xf32> to vector<640xf32>
    %broadcast_in_dim3A = vector.shape_cast %reduce_max3A_21 : vector<640xf32> to vector<640x1xf32>
    %sub3A = vector.broadcast %broadcast_in_dim3A : vector<640x1xf32> to vector<640x64xf32>
    %sub3A_22 = arith.subf %add3A_20, %sub3A : vector<640x64xf32>
    %exp3A = math.exp %sub3A_22 : vector<640x64xf32>
    %get3A_23 = arith.constant 0 : index
    %get3A_24 = arith.constant 0 : index
    %get3A_25 = vector.load %arg7[%get3A_23, %get3A_24] : memref<64x64xf32, #tpu.memory_space<vmem>>, vector<64x64xf32>
    %dot_general3A_26 = arith.constant dense<0.000000e+00> : vector<640x64xf32>
    %dot_general3A_27 = tpu.matmul %exp3A, %get3A_25, %dot_general3A_26 {dimension_numbers = #tpu.dot_dimension_numbers<[1], [0], [0], [1], [0, 0, 1, 1], [], []>, transpose_lhs_hint = false} : vector<640x64xf32>, vector<64x64xf32>, vector<640x64xf32> -> vector<640x64xf32>
    %div3A = arith.divf %exp3A, %dot_general3A_27 : vector<640x64xf32>
    %get3A_28 = arith.constant 0 : index
    %get3A_29 = arith.constant 0 : index
    %get3A_30 = vector.load %arg6[%get3A_28, %get3A_29] : memref<128x64xf32, #tpu.memory_space<vmem>>, vector<128x64xf32>
    %dot_general3A_31 = arith.constant dense<0.000000e+00> : vector<640x64xf32>
    %dot_general3A_32 = tpu.matmul %reshape3A, %get3A_30, %dot_general3A_31 {dimension_numbers = #tpu.dot_dimension_numbers<[1], [0], [0], [1], [0, 0, 1, 1], [], []>, transpose_lhs_hint = false} : vector<640x128xf32>, vector<128x64xf32>, vector<640x64xf32> -> vector<640x64xf32>
    %mul3A = arith.mulf %div3A, %dot_general3A_32 : vector<640x64xf32>
    %get3A_33 = arith.constant 0 : index
    %get3A_34 = arith.constant 0 : index
    %get3A_35 = vector.load %arg8[%get3A_33, %get3A_34] : memref<64x8xf32, #tpu.memory_space<vmem>>, vector<64x8xf32>
    %dot_general3A_36 = arith.constant dense<0.000000e+00> : vector<640x8xf32>
    %dot_general3A_37 = tpu.matmul %mul3A, %get3A_35, %dot_general3A_36 {dimension_numbers = #tpu.dot_dimension_numbers<[1], [0], [0], [1], [0, 0, 1, 1], [], []>, transpose_lhs_hint = false} : vector<640x64xf32>, vector<64x8xf32>, vector<640x8xf32> -> vector<640x8xf32>
    %swap3A = arith.constant 0 : index
    %swap3A_38 = arith.constant 0 : index
    %swap3A_39 = vector.load %arg11[%swap3A, %swap3A_38] : memref<640x64xf32, #tpu.memory_space<vmem>>, vector<640x64xf32>
    tpu.vector_store %arg11[%swap3A, %swap3A_38], %div3A {strides = array<i32>} : memref<640x64xf32, #tpu.memory_space<vmem>>, vector<640x64xf32>,
    %swap3A_40 = arith.constant 0 : index
    %swap3A_41 = arith.constant 0 : index
    %swap3A_42 = vector.load %arg12[%swap3A_40, %swap3A_41] : memref<640x8xf32, #tpu.memory_space<vmem>>, vector<640x8xf32>
    tpu.vector_store %arg12[%swap3A_40, %swap3A_41], %dot_general3A_37 {strides = array<i32>} : memref<640x8xf32, #tpu.memory_space<vmem>>, vector<640x8xf32>,
    %get3A_43 = arith.constant 0 : index
    %get3A_44 = arith.constant 0 : index
    %get3A_45 = tpu.strided_load %arg11[%get3A_43, %get3A_44] {strides = array<i32: 2, 1>} : memref<640x64xf32, #tpu.memory_space<vmem>>, vector<320x64xf32>
    %get3A_46 = arith.constant 1 : index
    %get3A_47 = arith.constant 0 : index
    %get3A_48 = tpu.strided_load %arg11[%get3A_46, %get3A_47] {strides = array<i32: 2, 1>} : memref<640x64xf32, #tpu.memory_space<vmem>>, vector<320x64xf32>
    %concatenate3A = tpu.concatenate %get3A_45, %get3A_48 in 1 : vector<320x64xf32>, vector<320x64xf32> -> vector<320x128xf32>
    %swap3A_49 = arith.constant 0 : index
    %swap3A_50 = arith.constant 0 : index
    %swap3A_51 = vector.load %arg9[%swap3A_49, %swap3A_50] : memref<320x128xf32, #tpu.memory_space<vmem>>, vector<320x128xf32>
    tpu.vector_store %arg9[%swap3A_49, %swap3A_50], %concatenate3A {strides = array<i32>} : memref<320x128xf32, #tpu.memory_space<vmem>>, vector<320x128xf32>,
    %get3A_52 = arith.constant 0 : index
    %get3A_53 = arith.constant 0 : index
    %get3A_54 = tpu.strided_load %arg12[%get3A_52, %get3A_53] {strides = array<i32: 16, 1>} : memref<640x8xf32, #tpu.memory_space<vmem>>, vector<40x8xf32>
    %get3A_55 = arith.constant 1 : index
    %get3A_56 = arith.constant 0 : index
    %get3A_57 = tpu.strided_load %arg12[%get3A_55, %get3A_56] {strides = array<i32: 16, 1>} : memref<640x8xf32, #tpu.memory_space<vmem>>, vector<40x8xf32>
    %get3A_58 = arith.constant 2 : index
    %get3A_59 = arith.constant 0 : index
    %get3A_60 = tpu.strided_load %arg12[%get3A_58, %get3A_59] {strides = array<i32: 16, 1>} : memref<640x8xf32, #tpu.memory_space<vmem>>, vector<40x8xf32>
    %get3A_61 = arith.constant 3 : index
    %get3A_62 = arith.constant 0 : index
    %get3A_63 = tpu.strided_load %arg12[%get3A_61, %get3A_62] {strides = array<i32: 16, 1>} : memref<640x8xf32, #tpu.memory_space<vmem>>, vector<40x8xf32>
    %get3A_64 = arith.constant 4 : index
    %get3A_65 = arith.constant 0 : index
    %get3A_66 = tpu.strided_load %arg12[%get3A_64, %get3A_65] {strides = array<i32: 16, 1>} : memref<640x8xf32, #tpu.memory_space<vmem>>, vector<40x8xf32>
    %get3A_67 = arith.constant 5 : index
    %get3A_68 = arith.constant 0 : index
    %get3A_69 = tpu.strided_load %arg12[%get3A_67, %get3A_68] {strides = array<i32: 16, 1>} : memref<640x8xf32, #tpu.memory_space<vmem>>, vector<40x8xf32>
    %get3A_70 = arith.constant 6 : index
    %get3A_71 = arith.constant 0 : index
    %get3A_72 = tpu.strided_load %arg12[%get3A_70, %get3A_71] {strides = array<i32: 16, 1>} : memref<640x8xf32, #tpu.memory_space<vmem>>, vector<40x8xf32>
    %get3A_73 = arith.constant 7 : index
    %get3A_74 = arith.constant 0 : index
    %get3A_75 = tpu.strided_load %arg12[%get3A_73, %get3A_74] {strides = array<i32: 16, 1>} : memref<640x8xf32, #tpu.memory_space<vmem>>, vector<40x8xf32>
    %get3A_76 = arith.constant 8 : index
    %get3A_77 = arith.constant 0 : index
    %get3A_78 = tpu.strided_load %arg12[%get3A_76, %get3A_77] {strides = array<i32: 16, 1>} : memref<640x8xf32, #tpu.memory_space<vmem>>, vector<40x8xf32>
    %get3A_79 = arith.constant 9 : index
    %get3A_80 = arith.constant 0 : index
    %get3A_81 = tpu.strided_load %arg12[%get3A_79, %get3A_80] {strides = array<i32: 16, 1>} : memref<640x8xf32, #tpu.memory_space<vmem>>, vector<40x8xf32>
    %get3A_82 = arith.constant 10 : index
    %get3A_83 = arith.constant 0 : index
    %get3A_84 = tpu.strided_load %arg12[%get3A_82, %get3A_83] {strides = array<i32: 16, 1>} : memref<640x8xf32, #tpu.memory_space<vmem>>, vector<40x8xf32>
    %get3A_85 = arith.constant 11 : index
    %get3A_86 = arith.constant 0 : index
    %get3A_87 = tpu.strided_load %arg12[%get3A_85, %get3A_86] {strides = array<i32: 16, 1>} : memref<640x8xf32, #tpu.memory_space<vmem>>, vector<40x8xf32>
    %get3A_88 = arith.constant 12 : index
    %get3A_89 = arith.constant 0 : index
    %get3A_90 = tpu.strided_load %arg12[%get3A_88, %get3A_89] {strides = array<i32: 16, 1>} : memref<640x8xf32, #tpu.memory_space<vmem>>, vector<40x8xf32>
    %get3A_91 = arith.constant 13 : index
    %get3A_92 = arith.constant 0 : index
    %get3A_93 = tpu.strided_load %arg12[%get3A_91, %get3A_92] {strides = array<i32: 16, 1>} : memref<640x8xf32, #tpu.memory_space<vmem>>, vector<40x8xf32>
    %get3A_94 = arith.constant 14 : index
    %get3A_95 = arith.constant 0 : index
    %get3A_96 = tpu.strided_load %arg12[%get3A_94, %get3A_95] {strides = array<i32: 16, 1>} : memref<640x8xf32, #tpu.memory_space<vmem>>, vector<40x8xf32>
    %get3A_97 = arith.constant 15 : index
    %get3A_98 = arith.constant 0 : index
    %get3A_99 = tpu.strided_load %arg12[%get3A_97, %get3A_98] {strides = array<i32: 16, 1>} : memref<640x8xf32, #tpu.memory_space<vmem>>, vector<40x8xf32>
    %concatenate3A_100 = tpu.concatenate %get3A_54, %get3A_57, %get3A_60, %get3A_63, %get3A_66, %get3A_69, %get3A_72, %get3A_75, %get3A_78, %get3A_81, %get3A_84, %get3A_87, %get3A_90, %get3A_93, %get3A_96, %get3A_99 in 1 : vector<40x8xf32>, vector<40x8xf32>, vector<40x8xf32>, vector<40x8xf32>, vector<40x8xf32>, vector<40x8xf32>, vector<40x8xf32>, vector<40x8xf32>, vector<40x8xf32>, vector<40x8xf32>, vector<40x8xf32>, vector<40x8xf32>, vector<40x8xf32>, vector<40x8xf32>, vector<40x8xf32>, vector<40x8xf32> -> vector<40x128xf32>
    %swap3A_101 = arith.constant 0 : index
    %swap3A_102 = arith.constant 0 : index
    %swap3A_103 = vector.load %arg10[%swap3A_101, %swap3A_102] : memref<40x128xf32, #tpu.memory_space<vmem>>, vector<40x128xf32>
    tpu.vector_store %arg10[%swap3A_101, %swap3A_102], %concatenate3A_100 {strides = array<i32>} : memref<40x128xf32, #tpu.memory_space<vmem>>, vector<40x128xf32>,
    return
  }
  func.func @transform_0(%arg0: i32) -> i32 {
    %c0_i32 = arith.constant 0 : i32
    return %arg0 : i32
  }
  func.func @transform_1(%arg0: i32) -> (i32, i32) {
    %c0_i32 = arith.constant 0 : i32
    %c0_i32_0 = arith.constant 0 : i32
    %c0_i32_1 = arith.constant 0 : i32
    return %c0_i32, %c0_i32_0 : i32, i32
  }
  func.func @transform_2(%arg0: i32) -> (i32, i32) {
    %c0_i32 = arith.constant 0 : i32
    %c0_i32_0 = arith.constant 0 : i32
    %c0_i32_1 = arith.constant 0 : i32
    return %c0_i32, %c0_i32_0 : i32, i32
  }
  func.func @transform_3(%arg0: i32) -> (i32, i32) {
    %c0_i32 = arith.constant 0 : i32
    %c0_i32_0 = arith.constant 0 : i32
    %c0_i32_1 = arith.constant 0 : i32
    return %c0_i32, %c0_i32_0 : i32, i32
  }
  func.func @transform_4(%arg0: i32) -> (i32, i32) {
    %c0_i32 = arith.constant 0 : i32
    %c0_i32_0 = arith.constant 0 : i32
    %c0_i32_1 = arith.constant 0 : i32
    return %c0_i32, %c0_i32_0 : i32, i32
  }
  func.func @transform_5(%arg0: i32) -> (i32, i32) {
    %c0_i32 = arith.constant 0 : i32
    %c0_i32_0 = arith.constant 0 : i32
    %c0_i32_1 = arith.constant 0 : i32
    return %c0_i32, %c0_i32_0 : i32, i32
  }
  func.func @transform_6(%arg0: i32) -> (i32, i32) {
    %c0_i32 = arith.constant 0 : i32
    %c0_i32_0 = arith.constant 0 : i32
    %c0_i32_1 = arith.constant 0 : i32
    return %c0_i32, %c0_i32_0 : i32, i32
  }
  func.func @transform_7(%arg0: i32) -> (i32, i32) {
    %c0_i32 = arith.constant 0 : i32
    %c0_i32_0 = arith.constant 0 : i32
    %c0_i32_1 = arith.constant 0 : i32
    return %c0_i32, %c0_i32_0 : i32, i32
  }
  func.func @transform_8(%arg0: i32) -> (i32, i32) {
    %c0_i32 = arith.constant 0 : i32
    %c0_i32_0 = arith.constant 0 : i32
    return %arg0, %c0_i32 : i32, i32
  }
  func.func @transform_9(%arg0: i32) -> (i32, i32) {
    %c0_i32 = arith.constant 0 : i32
    %c0_i32_0 = arith.constant 0 : i32
    return %arg0, %c0_i32 : i32, i32
  }
}

</mosaic_0001>

<sc_bundles>
// kernel: sparse-core-data-format-call.cloned.1.call-start
scs
called_computation_lowered:
.L_overlay_start_0:
0x0: {  	s2 =	sld [smem:$0x3FD9]  }
0x1: {  	s3 =	sld [smem:$0x3FFE];
	_ =	sdelay $0x1  }
0x2: {  	s1 =	srdreg.scid  }
0x3: {  	s0 =	sand.u32 $0x1, s1  }
0x4: {  	s15 =	sshll.u32 s0, $0xA;
	s2 =	sadd.s32 s3, s2  }
0x5: {  	s2 =	sadd.s32 s2, s15  }
0x6: {  	[smem:$0x3FC2] =	sst s2  }
0x7: {  	_ = 	snop  }
0x8: {  	s2 =	sld [smem:$0x3FD0];
	_ =	sdelay $0x2  }
0x9: {  	s16 =	simm.s32 $0xA;
	s4 =	simm.s32 $0x10  }
0xa: {  	[smem:s4], [sflag:s16] =	dma.local [hbm:s2], $0x1  }
0xb: {  	_ =	swait.eq [sflag:s16], $0x1  }
0xc: {  	[sflag:s16] =	ssyncset.done $0x0  }
0xd: {  	[sflag:s16] =	ssyncadd.s32 $0xFFFFFFFF  }
0xe: {  	s17 =	sld [smem:$0x11];
	(tm) =	ssettm $0x1  }
0xf: {  	s18 =	sld [smem:$0x3FFB];
	_ =	sdelay $0x3  }
0x10: {  	_ =	strace s18  }
0x11: {  	s3 =	sld [smem:$0x3FFC];
	_ =	sdelay $0x3  }
0x12: {  	_ =	strace s3  }
0x13: {  	s3 =	sld [smem:$0x3FFD];
	_ =	sdelay $0x3  }
0x14: {  	_ =	strace s3  }
0x15: {  	_ =	strace $0x8FFFFFFF  }
0x16: {  	s19 =	sld [smem:$0x3FDB];
	_ =	sdelay $0x1  }
0x17: {  	s20 =	simm.s32 $_scs_section_size  }
0x18: {  	s5 =	simm.s32 $_size__tile_overlayer_lowered;
	s6 =	simm.s32 $_tile_overlayer_lowered  }
0x19: {  	s23 =	simm.s32 $0x1BFF;
	s22 =	sshll.u32 s6, $0x1;
	s3 =	sadd.s32 s20, s19  }
0x1a: {  	s7 =	simm.s32 $0x0;
	s21 =	sshll.u32 s5, $0x1;
	s5 =	sadd.s32 s22, s3  }
0x1b: {  	[timem:s7], [sflag:s23] =	dma.local [hbm:s5], s21  }
0x1c: {  	_ =	swait.ge [sflag:s23], s21  }
0x1d: {  	s4 =	ssub.s32 $0x0, s21;
	[sflag:s23] =	ssyncset.done $0x0  }
0x1e: {  	[sflag:s23] =	ssyncadd.s32 s4;
	_ =	sdelay $0x1  }
0x1f: {  	s24 =	simm.s32 $0x1B8B  }
0x20: {  	_ =	swait.ge [sflag:s24], $0x1  }
0x21: {  	[sflag:s24] =	ssyncset.done $0x0  }
0x22: {  	s26 =	simm.s32 $0x1B8E;
	s25 =	sld [smem:$0x3FFE];
	[sflag:s24] =	ssyncadd.s32 $0xFFFFFFFF  }
0x23: {  	s27 =	simm.s32 $execute0_lowered;
	[smem:$0x3FD2] =	sst s26  }
0x24: {  	s5 =	sshll.u32 s27, $0x1;
	_ =	strace $0x80000046;
	[dreg:$0x1] =	wrdreg $0xFFFFFFFF  }
0x25: {  	s28 =	simm.s32 $_size_execute0_lowered;
	s3 =	sadd.s32 s3, s5;
	[dreg:$0x0] =	wrdreg $0x0  }
0x26: {  	s5 =	sshll.u32 s28, $0x1;
	[dreg:$0x2] =	wrdreg s3  }
0x27: {  	[dreg:$0x3] =	wrdreg s5  }
0x28: {  	[dreg:$0x4] =	wrdreg $0xC0  }
0x29: {  	_ =	task [dreg:s7], $0x5FFFF  }
0x2a: {  	[dreg:$0x1] =	wrdreg $0xFFFFFFFF  }
0x2b: {  	[dreg:$0x0] =	wrdreg $0x60  }
0x2c: {  	[dreg:$0x2] =	wrdreg s25  }
0x2d: {  	[dreg:$0x3] =	wrdreg s17  }
0x2e: {  	[dreg:$0x4] =	wrdreg $0x9  }
0x2f: {  	_ =	task.clear_ibuf [dreg:s7], $0x5FFFF;
	_ =	strace $0x90000046  }
0x30: {  	s29 =	simm.s32 $0x9;
	_ =	strace $0x80000048  }
0x31: {  	_ =	swait.ge [sflag:s29], $0x1  }
0x32: {  	[sflag:s29] =	ssyncadd.s32 $0xFFFFFFFF  }
0x33: {  	_ =	strace $0x90000048  }
0x34: {  	_ =	sfence  }
0x35: {  	s30 =	sld [smem:$0x0];
	_ =	sdelay $0x2  }
0x36: {  	s31 =	sshll.u32 s1, $0xD;
	s1 =	sshrl.u32 s1, $0x2  }
0x37: {  	s3 =	sand.u32 $0x4000, s31;
	s1 =	sadd.s32 s1, s30  }
0x38: {  	s0 =	sor.u32 s3, s0;
	s1 =	sshll.u32 s1, $0x11  }
0x39: {  	s0 =	sor.u32 s1, s0  }
0x3a: {  	s0 =	sadd.s32 $0x8F2B, s0  }
0x3b: {  	[sflag:s0] =	ssyncadd.remote.s32 $0x1  }
0x3c: {  	_ =	sfence.sel $0xFFFF  }
0x3d: {  	[dreg:$0x0] =	wrdreg $0xFFFFFFFF;
	(pc) =	sbr.abs _section_cstart, $3  }
0x3e: {  	[dreg:$0x1] =	wrdreg $0xFFFFFFFF  }
0x3f: {  	_ =	task.clear_ibuf [dreg:s7], $0x2FFFF;
	_ =	strace $0x9FFFFFFF  }
0x40: {  	(tm) =	ssettm $0x7FFFFFFF  }
0x41: {  	_ =	shalt  }
tec
execute0_lowered:
.L_overlay_start_1:
0x0: {  	(tag) =	ssettag $0x1  }
0x1: {  	s0 =	srdreg.scid  }
0x2: {  	s1 =	sshll.u32 s0, $0x4  }
0x3: {  	s6 =	rddreg [dreg:$0x0];
	s0 =	stileid.u32;
	s1 =	sand.u32 $0x10, s1  }
0x4: {  	s3 =	rddreg [dreg:$0x1];
	s1 =	sor.u32 s0, s1  }
0x5: {  	s7 =	simm.s32 $0x1;
	s8 =	simm.s32 $0x2;
	s2 =	sshll.u32 s1, $0x7  }
0x6: {  	s10 =	simm.s32 $0x0;
	s9 =	simm.s32 $0x0;
	s5 =	ssub.s32 $0x30D400, s2  }
.Ltmp0:
0x7: {  	s6 =	sadd.s32 $0x1200, s6;
	s4 =	sand.u32 $0xF80, s5;
	(pc) =	sbr.rel .LBB1_1-.Ltmp0, $4  }
0x8: {  	s1 =	rddreg [dreg:$0x2];
	_ =	strace $0x80000047;
	p0 =	sne.s32 s4, $0x0  }
0x9: {  	s5 =	sshrl.u32 s5, $0xC;
	s4 =	simm.s32 $0x1;
	s7 =	simm.s32 @!p0 $0x0  }
0xa: {  	[sflag:s4] =	ssyncpa.u1 $0x0;
	p0 =	por $0x0, $0x0;
	s5 =	sadd.s32 s7, s5  }
0xb: {  	[sflag:s8] =	ssyncpa.u1 $0x0;
	s8 =	smov.u32 s2;
	s7 =	sadd.s32 $0x1, s5  }
.LBB1_4:
0xc: {  	[tilespmem:s20+$0xFFFFFFFA ss:$0x81] =	vst.msk $0xff, v4  }
0xd: {  	v4 =	vld.msk [tilespmem:s22+$0xFFFFFFF0], $0xff;
	_ =	sdelay $0x3  }
0xe: {  	[tilespmem:s17+$0xFFFFFFFB ss:$0x81] =	vst.msk $0xff, v3  }
0xf: {  	v3 =	vld.msk [tilespmem:s19+$0xFFFFFFF8], $0xff;
	[tilespmem:s20+$0xFFFFFFFB ss:$0x81] =	vst.msk $0xff, v4  }
0x10: {  	v4 =	vld.msk [tilespmem:s22+$0xFFFFFFF8], $0xff;
	_ =	sdelay $0x3  }
0x11: {  	v5 =	vld.msk [tilespmem:s18+$0x0], $0xff;
	[tilespmem:s17+$0xFFFFFFFC ss:$0x81] =	vst.msk $0xff, v3  }
0x12: {  	v3 =	vld.msk [tilespmem:s19+$0x0], $0xff;
	[tilespmem:s20+$0xFFFFFFFC ss:$0x81] =	vst.msk $0xff, v4  }
0x13: {  	v4 =	vld.msk [tilespmem:s22+$0x0], $0xff;
	_ =	sdelay $0x2  }
0x14: {  	[tilespmem:s16+$0xFFFFFFFD ss:$0x81] =	vst.msk $0xff, v5  }
0x15: {  	v5 =	vld.msk [tilespmem:s18+$0x8], $0xff;
	[tilespmem:s17+$0xFFFFFFFD ss:$0x81] =	vst.msk $0xff, v3  }
0x16: {  	v3 =	vld.msk [tilespmem:s19+$0x8], $0xff;
	[tilespmem:s20+$0xFFFFFFFD ss:$0x81] =	vst.msk $0xff, v4  }
0x17: {  	v4 =	vld.msk [tilespmem:s22+$0x8], $0xff;
	_ =	sdelay $0x1  }
0x18: {  	[tilespmem:s13+$0xFFFFFFFE ss:$0x81] =	vst.msk $0xff, v2  }
0x19: {  	v2 =	vld.msk [tilespmem:s15+$0x10], $0xff;
	[tilespmem:s16+$0xFFFFFFFE ss:$0x81] =	vst.msk $0xff, v5  }
0x1a: {  	v5 =	vld.msk [tilespmem:s18+$0x10], $0xff;
	[tilespmem:s17+$0xFFFFFFFE ss:$0x81] =	vst.msk $0xff, v3  }
0x1b: {  	v3 =	vld.msk [tilespmem:s19+$0x10], $0xff;
	[tilespmem:s20+$0xFFFFFFFE ss:$0x81] =	vst.msk $0xff, v4  }
0x1c: {  	v4 =	vld.msk [tilespmem:s22+$0x10], $0xff  }
0x1d: {  	[tilespmem:s12+$0xFFFFFFFF ss:$0x81] =	vst.msk $0xff, v1  }
0x1e: {  	s25 =	sshll.u32 s10, $0x3;
	v1 =	vld.msk [tilespmem:s14+$0x18], $0xff;
	[tilespmem:s13+$0xFFFFFFFF ss:$0x81] =	vst.msk $0xff, v2  }
0x1f: {  	s26 =	sshrl.u32 s25, $0xA;
	v2 =	vld.msk [tilespmem:s15+$0x18], $0xff;
	[tilespmem:s16+$0xFFFFFFFF ss:$0x81] =	vst.msk $0xff, v5  }
0x20: {  	s15 =	smulhi.u32 $0x53E2D7, s26;
	v61 =	vld.msk [tilespmem:s18+$0x18], $0xff;
	[tilespmem:s17+$0xFFFFFFFF ss:$0x81] =	vst.msk $0xff, v3  }
0x21: {  	v62 =	vld.msk [tilespmem:s19+$0x18], $0xff;
	[tilespmem:s20+$0xFFFFFFFF ss:$0x81] =	vst.msk $0xff, v4  }
0x22: {  	[tilespmem:s11+$0x0 ss:$0x81] =	vst.msk $0xff, v0;
	s27 =	sand.u32 $0x7F, s10;
	s28 =	sshrl.u32 s15, $0x2;
	v63 =	vld.msk [tilespmem:s22+$0x18], $0xff  }
0x23: {  	s29 =	sand.u32 $0xFFFFFC00, s25;
	[tilespmem:s12+$0x0 ss:$0x81] =	vst.msk $0xff, v1;
	s30 =	smul.u32 $0x30D400, s28;
	s11 =	sand.u32 $0x7, s28  }
0x24: {  	s10 =	sor.u32 s27, s29;
	s11 =	smul.u32 $0x61A80, s11;
	[tilespmem:s13+$0x0 ss:$0x81] =	vst.msk $0xff, v2  }
0x25: {  	s10 =	ssub.s32 s10, s30;
	[tilespmem:s16+$0x0 ss:$0x81] =	vst.msk $0xff, v61  }
0x26: {  	s31 =	sshrl.u32 s10, $0x3;
	s11 =	sadd.s32 s3, s11;
	[tilespmem:s17+$0x0 ss:$0x81] =	vst.msk $0xff, v62  }
0x27: {  	s10 =	sand.u32 $0x7, s10;
	s11 =	sadd.s32 s31, s11;
	[tilespmem:s20+$0x0 ss:$0x81] =	vst.msk $0xff, v63  }
0x28: {  	[hbm4b:s11+s10] =	stream.linear.scatter [tilespmem:s21], [sflag:$0x2], $0x400, $0x20;
	[tilespmem:$0x1010] =	vst v63  }
.LBB1_5:
0x29: {  	s12 =	sadd.s32 $0x1000, s8  }
0x2a: {  	p2 =	sgt.s32 s12, $0x30D3FF  }
0x2b: {  	s12 =	smov.u32 @p2 s2;
	p2 =	sne.s32 s9, s7  }
.Ltmp1:
0x2c: {  	p1 =	slt.u32 s9, $0x2;
	(pc) =	sbr.rel @!p2 .LBB1_6-.Ltmp1, $4  }
0x2d: {  	s11 =	simm.s32 @!p1 $0x2  }
0x2e: {  	s13 =	sadd.s32 $0x1, s9;
	_ =	swait.ge @!p1 [sflag:s11], $0x400  }
0x2f: {  	s10 =	smov.u32 s8;
	p0 =	por !p0, !p0;
	[sflag:s11] =	ssyncset.done @!p1 $0x0  }
0x30: {  	s9 =	smov.u32 s13;
	s8 =	smov.u32 s12;
	[sflag:s11] =	ssyncadd.s32 @!p1 $0xFFFFFC00  }
.LBB1_1:
0x31: {  	p1 =	sge.u32 s9, s5  }
0x32: {  	s11 =	sand.u32 @!p1 $0x1FFFFFF, s8  }
0x33: {  	s12 =	smulhi.u32 @!p1 $0x14F8B59, s11;
	_ =	sdelay $0x1  }
0x34: {  	s12 =	sshrl.u32 @!p1 s12, $0xE  }
0x35: {  	s12 =	smul.u32 @!p1 $0x30D400, s12;
	_ =	sdelay $0x1  }
0x36: {  	s31 =	sadd.s32 $0xFFFFFFFF, s9;
	s13 =	sxor.u32 @!p1 $0xFFFFFFFF, s9;
	s11 =	ssub.s32 @!p1 s11, s12  }
0x37: {  	s14 =	simm.s32 @!p1 $0x80;
	s13 =	sshll.u32 @!p1 s13, $0xA;
	s11 =	sshll.u32 @!p1 s11, $0x4  }
0x38: {  	s12 =	sand.u32 @!p1 $0x400, s13;
	s13 =	simm.s32 @!p1 $0x8;
	s11 =	sadd.s32 @!p1 s6, s11  }
0x39: {  	[tilespmem:s12], [sflag:$0x1] =	stream.strided.gather @!p1 [hbm4b:s11+s13], $0x400, s14, s13, $0x38;
	[tilespmem:$0x1010] =	vst v63  }
0x3a: {  	p1 =	sge.u32 s31, s5  }
.Ltmp2:
0x3b: {  	_ = 	snop;
	(pc) =	sbr.rel @p1 .LBB1_5-.Ltmp2, $1  }
0x3c: {  	_ =	sdelay $0x3  }
0x3d: {  	s11 =	simm.s32 $0x1  }
0x3e: {  	_ =	swait.ge [sflag:s4], $0x400;
	s11 =	simm.s32 @!p0 $0x0  }
0x3f: {  	[sflag:s4] =	ssyncset.done $0x0;
	s12 =	sshll.u32 s11, $0xA  }
0x40: {  	[sflag:s4] =	ssyncadd.s32 $0xFFFFFC00;
	s20 =	sor.u32 $0x20, s12  }
0x41: {  	v0 =	vld.msk [tilespmem:s20+$0xFFFFFFE0], $0xff  }
0x42: {  	s11 =	smul.u32 $0x1020, s11;
	_ =	sdelay $0x1  }
0x43: {  	s11 =	sshrl.u32 s11, $0x2  }
0x44: {  	s11 =	sor.u32 $0x807, s11  }
0x45: {  	[tilespmem:s11+$0xFFFFFFF9 ss:$0x81] =	vst.msk $0xff, v0  }
0x46: {  	v0 =	vld.msk [tilespmem:s20+$0xFFFFFFE8], $0xff  }
0x47: {  	s14 =	sadd.s32 $0x40, s20  }
0x48: {  	v1 =	vld.msk [tilespmem:s14+$0xFFFFFFE0], $0xff;
	_ =	sdelay $0x2  }
0x49: {  	[tilespmem:s11+$0xFFFFFFFA ss:$0x81] =	vst.msk $0xff, v0  }
0x4a: {  	s12 =	sadd.s32 $0x8, s11;
	v0 =	vld.msk [tilespmem:s20+$0xFFFFFFF0], $0xff  }
0x4b: {  	[tilespmem:s12+$0xFFFFFFF9 ss:$0x81] =	vst.msk $0xff, v1  }
0x4c: {  	v1 =	vld.msk [tilespmem:s14+$0xFFFFFFE8], $0xff  }
0x4d: {  	s15 =	sadd.s32 $0x40, s14  }
0x4e: {  	v2 =	vld.msk [tilespmem:s15+$0xFFFFFFE0], $0xff  }
0x4f: {  	[tilespmem:s11+$0xFFFFFFFB ss:$0x81] =	vst.msk $0xff, v0  }
0x50: {  	v0 =	vld.msk [tilespmem:s20+$0xFFFFFFF8], $0xff  }
0x51: {  	[tilespmem:s12+$0xFFFFFFFA ss:$0x81] =	vst.msk $0xff, v1  }
0x52: {  	s13 =	sadd.s32 $0x8, s12;
	v1 =	vld.msk [tilespmem:s14+$0xFFFFFFF0], $0xff  }
0x53: {  	[tilespmem:s13+$0xFFFFFFF9 ss:$0x81] =	vst.msk $0xff, v2  }
0x54: {  	s18 =	sadd.s32 $0x40, s15;
	v2 =	vld.msk [tilespmem:s15+$0xFFFFFFE8], $0xff  }
0x55: {  	[tilespmem:s11+$0xFFFFFFFC ss:$0x81] =	vst.msk $0xff, v0;
	v0 =	vld.msk [tilespmem:s18+$0xFFFFFFE0], $0xff  }
0x56: {  	v3 =	vld.msk [tilespmem:s20+$0x0], $0xff  }
0x57: {  	[tilespmem:s12+$0xFFFFFFFB ss:$0x81] =	vst.msk $0xff, v1  }
0x58: {  	v1 =	vld.msk [tilespmem:s14+$0xFFFFFFF8], $0xff  }
0x59: {  	s16 =	sadd.s32 $0x8, s13;
	[tilespmem:s13+$0xFFFFFFFA ss:$0x81] =	vst.msk $0xff, v2  }
0x5a: {  	v2 =	vld.msk [tilespmem:s15+$0xFFFFFFF0], $0xff;
	[tilespmem:s16+$0xFFFFFFF9 ss:$0x81] =	vst.msk $0xff, v0  }
0x5b: {  	v0 =	vld.msk [tilespmem:s18+$0xFFFFFFE8], $0xff;
	[tilespmem:s11+$0xFFFFFFFD ss:$0x81] =	vst.msk $0xff, v3  }
0x5c: {  	s19 =	sadd.s32 $0x40, s18;
	v3 =	vld.msk [tilespmem:s20+$0x8], $0xff  }
0x5d: {  	[tilespmem:s12+$0xFFFFFFFC ss:$0x81] =	vst.msk $0xff, v1;
	v1 =	vld.msk [tilespmem:s19+$0xFFFFFFE0], $0xff  }
0x5e: {  	v4 =	vld.msk [tilespmem:s14+$0x0], $0xff  }
0x5f: {  	[tilespmem:s13+$0xFFFFFFFB ss:$0x81] =	vst.msk $0xff, v2  }
0x60: {  	v2 =	vld.msk [tilespmem:s15+$0xFFFFFFF8], $0xff;
	[tilespmem:s16+$0xFFFFFFFA ss:$0x81] =	vst.msk $0xff, v0  }
0x61: {  	s17 =	sadd.s32 $0x8, s16;
	v0 =	vld.msk [tilespmem:s18+$0xFFFFFFF0], $0xff;
	[tilespmem:s11+$0xFFFFFFFE ss:$0x81] =	vst.msk $0xff, v3  }
0x62: {  	[tilespmem:s17+$0xFFFFFFF9 ss:$0x81] =	vst.msk $0xff, v1;
	v1 =	vld.msk [tilespmem:s20+$0x10], $0xff  }
0x63: {  	[tilespmem:s12+$0xFFFFFFFD ss:$0x81] =	vst.msk $0xff, v4;
	v3 =	vld.msk [tilespmem:s19+$0xFFFFFFE8], $0xff  }
0x64: {  	s22 =	sadd.s32 $0x40, s19;
	v4 =	vld.msk [tilespmem:s14+$0x8], $0xff  }
0x65: {  	[tilespmem:s13+$0xFFFFFFFC ss:$0x81] =	vst.msk $0xff, v2;
	v2 =	vld.msk [tilespmem:s22+$0xFFFFFFE0], $0xff  }
0x66: {  	v5 =	vld.msk [tilespmem:s15+$0x0], $0xff;
	[tilespmem:s16+$0xFFFFFFFB ss:$0x81] =	vst.msk $0xff, v0  }
0x67: {  	v6 =	vld.msk [tilespmem:s18+$0xFFFFFFF8], $0xff;
	[tilespmem:s11+$0xFFFFFFFF ss:$0x81] =	vst.msk $0xff, v1  }
0x68: {  	s21 =	sand.u32 $0x1, s9;
	[tilespmem:s17+$0xFFFFFFFA ss:$0x81] =	vst.msk $0xff, v3;
	v0 =	vld.msk [tilespmem:s20+$0x18], $0xff  }
0x69: {  	s21 =	smul.u32 $0x1020, s21;
	[tilespmem:s12+$0xFFFFFFFE ss:$0x81] =	vst.msk $0xff, v4;
	v3 =	vld.msk [tilespmem:s19+$0xFFFFFFF0], $0xff;
	s20 =	sadd.s32 $0x8, s17  }
0x6a: {  	v1 =	vld.msk [tilespmem:s14+$0x10], $0xff;
	[tilespmem:s20+$0xFFFFFFF9 ss:$0x81] =	vst.msk $0xff, v2  }
0x6b: {  	s21 =	sshrl.u32 s21, $0x2;
	[tilespmem:s13+$0xFFFFFFFD ss:$0x81] =	vst.msk $0xff, v5;
	v4 =	vld.msk [tilespmem:s22+$0xFFFFFFE8], $0xff  }
0x6c: {  	s23 =	simm.s32 $0x28;
	s21 =	sor.u32 $0x800, s21;
	s24 =	sadd.s32 $0x40, s22;
	v2 =	vld.msk [tilespmem:s15+$0x8], $0xff;
	[tilespmem:s16+$0xFFFFFFFC ss:$0x81] =	vst.msk $0xff, v6  }
.LBB1_3:
0x6d: {  	v5 =	vld.msk [tilespmem:s24+$0xFFFFFFE0], $0xff;
	[tilespmem:s11+$0x0 ss:$0x81] =	vst.msk $0xff, v0;
	s11 =	smov.u32 s12;
	s12 =	smov.u32 s13;
	s13 =	smov.u32 s16  }
0x6e: {  	s23 =	sadd.s32 $0x8, s23;
	s16 =	smov.u32 s17;
	[tilespmem:s17+$0xFFFFFFFB ss:$0x81] =	vst.msk $0xff, v3;
	v6 =	vld.msk [tilespmem:s18+$0x0], $0xff;
	s17 =	smov.u32 s20  }
0x6f: {  	p1 =	slt.u32 s23, $0x78;
	v7 =	vld.msk [tilespmem:s19+$0xFFFFFFF8], $0xff;
	[tilespmem:s11+$0xFFFFFFFF ss:$0x81] =	vst.msk $0xff, v1  }
.Ltmp3:
0x70: {  	[tilespmem:s20+$0xFFFFFFFA ss:$0x81] =	vst.msk $0xff, v4;
	v0 =	vld.msk [tilespmem:s14+$0x18], $0xff;
	s14 =	smov.u32 s15;
	s15 =	smov.u32 s18;
	(pc) =	sbr.rel @p1 .LBB1_3-.Ltmp3, $4  }
0x71: {  	s20 =	sadd.s32 $0x8, s20;
	s18 =	smov.u32 s19;
	s19 =	smov.u32 s22;
	v3 =	vld.msk [tilespmem:s22+$0xFFFFFFF0], $0xff;
	[tilespmem:s12+$0xFFFFFFFE ss:$0x81] =	vst.msk $0xff, v2  }
0x72: {  	s22 =	smov.u32 s24;
	[tilespmem:s20+$0xFFFFFFF9 ss:$0x81] =	vst.msk $0xff, v5;
	v1 =	vld.msk [tilespmem:s14+$0x10], $0xff  }
0x73: {  	v4 =	vld.msk [tilespmem:s24+$0xFFFFFFE8], $0xff;
	[tilespmem:s13+$0xFFFFFFFD ss:$0x81] =	vst.msk $0xff, v6  }
0x74: {  	s24 =	sadd.s32 $0x40, s24;
	[tilespmem:s16+$0xFFFFFFFC ss:$0x81] =	vst.msk $0xff, v7;
	v2 =	vld.msk [tilespmem:s15+$0x8], $0xff  }
.Ltmp4:
0x75: {  	_ = 	snop;
	(pc) =	sbr.rel .LBB1_4-.Ltmp4, $1  }
0x76: {  	_ =	sdelay $0x3  }
.LBB1_6:
0x77: {  	_ =	sfence.sel $0x180000  }
0x78: {  	s2 =	simm.s32 $0x1;
	[bflag:$0x0] =	sbarrier.arrive $0xFFFF  }
0x79: {  	s31 =	simm.s32 $0x2;
	[sflag:s2] =	ssyncpa.u1 $0x1  }
0x7a: {  	[sflag:s31] =	ssyncpa.u1 $0x1  }
0x7b: {  	p0 =	sne.s32 s0, $0x0;
	_ =	strace $0x90000047  }
0x7c: {  	s0 =	sadd.s32 @!p0 $0x100000, s1;
	[bflag:$0x2] =	sbarrier.arrive $0xFFFF  }
0x7d: {  	[sflag:s0] =	ssyncadd.tile.s32 @!p0 $0x1;
	_ =	shalt  }
.Lfunc_end1:
_tile_overlayer_lowered:
.L_overlay_start_2:
0x7e: {  	(tag) =	ssettag $0x2  }
0x7f: {  	s0 =	rddreg [dreg:$0x0];
	s2 =	stileid.u32  }
0x80: {  	s1 =	rddreg [dreg:$0x1];
	p0 =	sne.s32 s2, $0x0  }
0x81: {  	s3 =	rddreg [dreg:$0x2];
	[bflag:$0x3] =	sbarrier.arrive $0xFFFF;
	s2 =	simm.s32 @!p0 $0x1C01  }
0x82: {  	[timem:s3], [sflag:s2] =	dma.local @!p0 [hbm:s0], s1  }
0x83: {  	s0 =	simm.s32 @!p0 $0x1  }
0x84: {  	_ =	swait.ge @!p0 [sflag:s0], s1  }
0x85: {  	s1 =	ssub.s32 @!p0 $0x0, s1;
	[sflag:s0] =	ssyncset.done @!p0 $0x0  }
0x86: {  	[sflag:s0] =	ssyncadd.s32 @!p0 s1  }
0x87: {  	[bflag:$0x3] =	sbarrier.arrive $0xFFFF  }
0x88: {  	_ =	shalt  }

</sc_bundles>
